<compile_context>
chip_gen: v7x
topology: tpu7x:2x2x1
jax: 0.10.2.dev20260603
libtpu: 0.0.44.dev20260713+nightly
codegen_flags: <defaults>
</compile_context>

<pallas_src>
import functools

import jax
import jax.numpy as jnp
import numpy as np
from jax import lax
from jax.experimental import pallas as pl
from jax.experimental.pallas import tpu as pltpu
from jax.experimental.pallas import tpu_sc as plsc

B, C, S = 32, 32, 8192
BMIN, BMAX = 30, 50
START_IDX, END_IDX = 4500, 5250
MASK_RATIO = 5 * 0.5 / 9.0

LANES = 16


def _gen_blocks(rng, available_indices, total_mask_length):
    min_size, max_size = BMIN, BMAX
    mask_positions = []
    remaining = total_mask_length
    arr = np.array(available_indices)
    rng.shuffle(arr)
    available_indices = arr.tolist()
    while remaining >= min_size and available_indices:
        block_size = min(
            max_size,
            remaining,
            int(rng.integers(min_size, min(max_size, remaining) + 1)),
        )
        a = np.asarray(available_indices)
        n = len(a) - block_size + 1
        if n <= 0:
            valid_starts = []
        else:
            ok = np.ones(n, dtype=bool)
            base = a[:n]
            for j in range(1, block_size):
                ok &= a[j : j + n] == base + j
            valid_starts = np.nonzero(ok)[0].tolist()
        if not valid_starts:
            positions = available_indices[:remaining]
            mask_positions.extend(positions[:block_size])
            remaining -= len(positions[:block_size])
            break
        start_idx = valid_starts[int(rng.integers(len(valid_starts)))]
        block_positions = available_indices[start_idx : start_idx + block_size]
        mask_positions.extend(block_positions)
        remaining -= block_size
        for pos in block_positions:
            available_indices.remove(pos)
    return sorted(set(mask_positions))


def _build_index_tables():
    rng = np.random.default_rng(0)
    available = list(range(0, START_IDX)) + list(range(END_IDX, S))
    total_mask_length = int(len(available) * MASK_RATIO)
    iota = np.arange(S)
    p_rows, g_rows, k_max = [], [], 0
    for _ in range(B):
        src = np.arange(S)
        if total_mask_length >= BMIN and rng.random() < 1.0:
            for pos in _gen_blocks(rng, list(available), total_mask_length):
                if pos > 0:
                    src[pos] = src[pos - 1]
                elif pos < S - 1:
                    src[pos] = src[pos + 1]
        p = np.nonzero(src != iota)[0]
        g = src[p]
        assert np.all(src[g] == g)
        p_rows.append(p)
        g_rows.append(g)
        k_max = max(k_max, len(p))
    k_pad = max(LANES, -(-k_max // LANES) * LANES)
    pad = START_IDX
    p_tab = np.full((B, k_pad), pad, np.int32)
    g_tab = np.full((B, k_pad), pad, np.int32)
    for b in range(B):
        p_tab[b, : len(p_rows[b])] = p_rows[b]
        g_tab[b, : len(g_rows[b])] = g_rows[b]
    r_tab = np.repeat(np.arange(RCHUNK, dtype=np.int32), k_pad)[None, :].repeat(B, 0)
    p_loc = np.tile(p_tab, (1, RCHUNK))
    g_loc = np.tile(g_tab, (1, RCHUNK))
    tab = np.stack([p_loc, g_loc, r_tab], axis=1)
    return tab.astype(np.int32), RCHUNK * k_pad


RCHUNK = 1
NCHUNKS = C // RCHUNK
NBUF = 12
KAHEAD = 6

_TAB, _K_LOC = _build_index_tables()


def _sc_body(x_hbm, tab_hbm, out_hbm, tabv, bufs, in_sems, out_sems):
    b = lax.axis_index("s") * 2 + lax.axis_index("c")
    pv, gv, rv = tabv.at[0], tabv.at[1], tabv.at[2]

    def src_at(i):
        return x_hbm.at[b, pl.ds(i * RCHUNK, RCHUNK)]

    def dst_at(i):
        return out_hbm.at[b, pl.ds(i * RCHUNK, RCHUNK)]

    def issue_in(i, bi):
        pltpu.async_copy(src_at(i), bufs.at[bi], in_sems.at[bi])

    def prime(i, _):
        issue_in(i, i)
        return 0

    lax.fori_loop(0, KAHEAD, prime, 0)
    pltpu.sync_copy(tab_hbm.at[b], tabv)

    def step(i, _):
        bi = lax.rem(i, NBUF)
        pltpu.make_async_copy(src_at(i), bufs.at[bi], in_sems.at[bi]).wait()
        bvec = jnp.full((LANES,), bi, jnp.int32)

        def fix(j, _):
            r = rv[pl.ds(j * LANES, LANES)]
            g = gv[pl.ds(j * LANES, LANES)]
            p = pv[pl.ds(j * LANES, LANES)]
            vals = plsc.load_gather(bufs, [bvec, r, g])
            plsc.store_scatter(bufs, [bvec, r, p], vals)
            return 0

        lax.fori_loop(0, _K_LOC // LANES, fix, 0)
        pltpu.async_copy(bufs.at[bi], dst_at(i), out_sems.at[bi])
        nxt = i + KAHEAD

        @pl.when(nxt < NCHUNKS)
        def _():
            nbi = lax.rem(nxt, NBUF)
            prev = nxt - NBUF

            @pl.when(prev >= 0)
            def _():
                pltpu.make_async_copy(
                    bufs.at[nbi], dst_at(prev), out_sems.at[nbi]
                ).wait()

            pltpu.async_copy(src_at(nxt), bufs.at[nbi], in_sems.at[nbi])

        return 0

    lax.fori_loop(0, NCHUNKS, step, 0)

    def drain(i, _):
        bi = lax.rem(i, NBUF)
        pltpu.make_async_copy(bufs.at[bi], dst_at(i), out_sems.at[bi]).wait()
        return 0

    lax.fori_loop(max(0, NCHUNKS - NBUF), NCHUNKS, drain, 0)


def kernel(x):
    tab = jnp.asarray(_TAB)
    mesh = plsc.VectorSubcoreMesh(core_axis_name="c", subcore_axis_name="s")
    run = functools.partial(
        pl.kernel,
        mesh=mesh,
        out_type=jax.ShapeDtypeStruct((B, C, S), jnp.float32),
        scratch_types=[
            pltpu.VMEM((3, _K_LOC), jnp.int32),
            pltpu.VMEM((NBUF, RCHUNK, S), jnp.float32),
            pltpu.SemaphoreType.DMA((NBUF,)),
            pltpu.SemaphoreType.DMA((NBUF,)),
        ],
        compiler_params=pltpu.CompilerParams(
            needs_layout_passes=False, skip_device_barrier=True
        ),
    )(_sc_body)
    return run(x, tab)

# --- scband reference (transcript-rebuilt; emitter-appended) ---
"""Pipeline reference for scband-segment-masking-16698832847535 (READ-ONLY COPY).

The authoritative reference and input builder live on the scoring server;
editing this copy changes nothing except your own understanding.
"""

import jax, jax.numpy as jnp
import numpy as np

B, C, S = 32, 32, 8192
PROB = 1.0
MAGNITUDE = 5
START_IDX = 4500
END_IDX = 5250
BMIN, BMAX = 30, 50
MASK_RATIO = MAGNITUDE * 0.5 / 9.0


def _generate_blocks(rng, available_indices, total_mask_length):
    min_size, max_size = BMIN, BMAX
    mask_positions = []
    remaining = total_mask_length
    arr = np.array(available_indices)
    rng.shuffle(arr)
    available_indices = arr.tolist()
    while remaining >= min_size and available_indices:
        block_size = min(max_size, remaining, int(rng.integers(min_size, min(max_size, remaining) + 1)))
        valid_starts = []
        for i in range(len(available_indices) - block_size + 1):
            if all(available_indices[i + j] == available_indices[i] + j for j in range(block_size)):
                valid_starts.append(i)
        if not valid_starts:
            positions = available_indices[:remaining]
            mask_positions.extend(positions[:block_size])
            remaining -= len(positions[:block_size])
            break
        start_idx = valid_starts[int(rng.integers(len(valid_starts)))]
        block_positions = available_indices[start_idx:start_idx + block_size]
        mask_positions.extend(block_positions)
        remaining -= block_size
        for pos in block_positions:
            available_indices.remove(pos)
    return sorted(set(mask_positions))


def _build_src():
    # Deterministic reconstruction of the per-sample masking pattern.
    rng = np.random.default_rng(0)
    start_idx = max(0, START_IDX)
    end_idx = min(S, END_IDX)
    available = list(range(0, start_idx)) + list(range(end_idx, S))
    total_mask_length = int(len(available) * MASK_RATIO)
    srcs = []
    for i in range(B):
        src = np.arange(S)
        if total_mask_length >= BMIN and rng.random() < PROB:
            mask_positions = _generate_blocks(rng, list(available), total_mask_length)
            for pos in mask_positions:
                if pos > 0:
                    src[pos] = src[pos - 1]
                elif pos < S - 1:
                    src[pos] = src[pos + 1]
        srcs.append(src)
    return np.stack(srcs).astype(np.int32)


def setup_inputs(seed: int = 0) -> dict:
    key = jax.random.key(seed)
    x = jax.random.normal(key, (B, C, S), dtype=jnp.float32)
    return {"x": x}


def reference(x):
    src = jnp.asarray(_build_src())              # [B, S] gather source indices
    idx = jnp.broadcast_to(src[:, None, :], x.shape)
    out = jnp.take_along_axis(x, idx, axis=2)    # segment masking == gather from neighbor fill
    return out

if __name__ == "__main__":
    import jax
    _d = setup_inputs()
    print(jax.jit(kernel)(*tuple(_d.values())))

</pallas_src>

<mosaic_0001>
#map = affine_map<(d0, d1) -> (0, 0, 0)>
module attributes {stable_mosaic.version = 14 : i64} {
  func.func @_sc_body(%arg0: i32, %arg1: i32, %arg2: memref<32x32x8192xf32, #tpu.memory_space<hbm>>, %arg3: memref<32x3x64xi32, #tpu.memory_space<hbm>>, %arg4: memref<32x32x8192xf32, #tpu.memory_space<hbm>>, %arg5: memref<3x64xi32, #tpu.memory_space<vmem>>, %arg6: memref<12x1x8192xf32, #tpu.memory_space<vmem>>, %arg7: memref<12x!tpu.dma_semaphore, #tpu.memory_space<semaphore_mem>>, %arg8: memref<12x!tpu.dma_semaphore, #tpu.memory_space<semaphore_mem>>) attributes {dimension_semantics = [#tpu.dimension_semantics<core_parallel>, #tpu.dimension_semantics<subcore_parallel>], iteration_bounds = array<i64: 2, 16>, scalar_prefetch = 0 : i64, scratch_operands = 4 : i64, tpu.core_type = #tpu.core_type<sc_vector_subcore>, window_params = [{transform_indices = #map}, {transform_indices = #map}, {transform_indices = #map}]} {
    %mul3A = arith.constant 2 : i32
    %mul3A_0 = arith.muli %arg1, %mul3A : i32
    %add3A = arith.addi %mul3A_0, %arg0 : i32
    %scan3A = arith.constant 0 : i32
    %scan3A_1 = arith.constant 0 : i32
    %scan3A_2 = arith.constant 6 : i32
    %scan3A_3 = arith.addi %scan3A_1, %scan3A_2 : i32
    %scan3A_4 = arith.constant 1 : i32
    %scan3A_5 = scf.for %scan3A_24 = %scan3A_1 to %scan3A_3 step %scan3A_4 iter_args(%scan3A_25 = %scan3A) -> (i32)  : i32 {
      %mul3A_26 = arith.constant 1 : i32
      %mul3A_27 = arith.muli %scan3A_24, %mul3A_26 : i32
      %dma_start3A = arith.constant 0 : i32
      %dma_start3A_28 = arith.constant 0 : i32
      %dma_start3A_29 = tpu.memref_slice %arg6[%scan3A_24, %dma_start3A, %dma_start3A_28] : memref<12x1x8192xf32, #tpu.memory_space<vmem>> -> memref<1x1x8192xf32, #tpu.memory_space<vmem>>
      %dma_start3A_30 = tpu.memref_squeeze %dma_start3A_29 : memref<1x1x8192xf32, #tpu.memory_space<vmem>> -> memref<1x8192xf32, #tpu.memory_space<vmem>>
      %dma_start3A_31 = arith.constant 0 : i32
      %dma_start3A_32 = tpu.memref_slice %arg2[%add3A, %mul3A_27, %dma_start3A_31] : memref<32x32x8192xf32, #tpu.memory_space<hbm>> -> memref<1x1x8192xf32, #tpu.memory_space<hbm>>
      %dma_start3A_33 = tpu.memref_squeeze %dma_start3A_32 : memref<1x1x8192xf32, #tpu.memory_space<hbm>> -> memref<1x8192xf32, #tpu.memory_space<hbm>>
      %dma_start3A_34 = tpu.memref_slice %arg7[%scan3A_24] : memref<12x!tpu.dma_semaphore, #tpu.memory_space<semaphore_mem>> -> memref<1x!tpu.dma_semaphore, #tpu.memory_space<semaphore_mem>>
      %dma_start3A_35 = tpu.memref_squeeze %dma_start3A_34 : memref<1x!tpu.dma_semaphore, #tpu.memory_space<semaphore_mem>> -> memref<!tpu.dma_semaphore, #tpu.memory_space<semaphore_mem>>
      %dma_start3A_36 = arith.constant 0 : i32
      %dma_start3A_37 = arith.constant 0 : i32
      %dma_start3A_38 = tpu.memref_slice %arg6[%scan3A_24, %dma_start3A_36, %dma_start3A_37] : memref<12x1x8192xf32, #tpu.memory_space<vmem>> -> memref<1x1x8192xf32, #tpu.memory_space<vmem>>
      %dma_start3A_39 = tpu.memref_squeeze %dma_start3A_38 : memref<1x1x8192xf32, #tpu.memory_space<vmem>> -> memref<1x8192xf32, #tpu.memory_space<vmem>>
      %dma_start3A_40 = arith.constant 0 : i32
      %dma_start3A_41 = tpu.memref_slice %arg2[%add3A, %mul3A_27, %dma_start3A_40] : memref<32x32x8192xf32, #tpu.memory_space<hbm>> -> memref<1x1x8192xf32, #tpu.memory_space<hbm>>
      %dma_start3A_42 = tpu.memref_squeeze %dma_start3A_41 : memref<1x1x8192xf32, #tpu.memory_space<hbm>> -> memref<1x8192xf32, #tpu.memory_space<hbm>>
      tpu.enqueue_dma source(%dma_start3A_42 : memref<1x8192xf32, #tpu.memory_space<hbm>>) target(%dma_start3A_39 : memref<1x8192xf32, #tpu.memory_space<vmem>>) target_semaphore(%dma_start3A_35 : memref<!tpu.dma_semaphore, #tpu.memory_space<semaphore_mem>>)
      %scan3A_43 = arith.constant 0 : i32
      scf.yield %scan3A_43 : i32
    }
    %scan3A_6 = arith.constant 6 : i32
    "tpu.region"() ({
      %run_scoped3A = tpu.sem_alloc : memref<!tpu.dma_semaphore, #tpu.memory_space<semaphore_mem>>
      %dma_start3A = arith.constant 0 : i32
      %dma_start3A_24 = arith.constant 0 : i32
      %dma_start3A_25 = tpu.memref_slice %arg3[%add3A, %dma_start3A, %dma_start3A_24] : memref<32x3x64xi32, #tpu.memory_space<hbm>> -> memref<1x3x64xi32, #tpu.memory_space<hbm>>
      %dma_start3A_26 = tpu.memref_squeeze %dma_start3A_25 : memref<1x3x64xi32, #tpu.memory_space<hbm>> -> memref<3x64xi32, #tpu.memory_space<hbm>>
      %dma_start3A_27 = arith.constant 0 : i32
      %dma_start3A_28 = arith.constant 0 : i32
      %dma_start3A_29 = tpu.memref_slice %arg3[%add3A, %dma_start3A_27, %dma_start3A_28] : memref<32x3x64xi32, #tpu.memory_space<hbm>> -> memref<1x3x64xi32, #tpu.memory_space<hbm>>
      %dma_start3A_30 = tpu.memref_squeeze %dma_start3A_29 : memref<1x3x64xi32, #tpu.memory_space<hbm>> -> memref<3x64xi32, #tpu.memory_space<hbm>>
      tpu.enqueue_dma source(%dma_start3A_30 : memref<3x64xi32, #tpu.memory_space<hbm>>) target(%arg5 : memref<3x64xi32, #tpu.memory_space<vmem>>) target_semaphore(%run_scoped3A : memref<!tpu.dma_semaphore, #tpu.memory_space<semaphore_mem>>)
      %dma_wait3A = arith.constant 0 : i32
      %dma_wait3A_31 = arith.constant 0 : i32
      %dma_wait3A_32 = tpu.memref_slice %arg3[%add3A, %dma_wait3A, %dma_wait3A_31] : memref<32x3x64xi32, #tpu.memory_space<hbm>> -> memref<1x3x64xi32, #tpu.memory_space<hbm>>
      %dma_wait3A_33 = tpu.memref_squeeze %dma_wait3A_32 : memref<1x3x64xi32, #tpu.memory_space<hbm>> -> memref<3x64xi32, #tpu.memory_space<hbm>>
      %dma_wait3A_34 = arith.constant 0 : i32
      %dma_wait3A_35 = arith.constant 0 : i32
      %dma_wait3A_36 = tpu.memref_slice %arg3[%add3A, %dma_wait3A_34, %dma_wait3A_35] : memref<32x3x64xi32, #tpu.memory_space<hbm>> -> memref<1x3x64xi32, #tpu.memory_space<hbm>>
      %dma_wait3A_37 = tpu.memref_squeeze %dma_wait3A_36 : memref<1x3x64xi32, #tpu.memory_space<hbm>> -> memref<3x64xi32, #tpu.memory_space<hbm>>
      tpu.wait_dma2 semaphore(%run_scoped3A : memref<!tpu.dma_semaphore, #tpu.memory_space<semaphore_mem>>) src(%dma_wait3A_37 : memref<3x64xi32, #tpu.memory_space<hbm>>) dst(%arg5 : memref<3x64xi32, #tpu.memory_space<vmem>>)
      tpu.yield
    }) : () -> ()
    %scan3A_7 = arith.constant 2 : i32
    %scan3A_8 = arith.constant 1 : i32
    %scan3A_9 = arith.constant 0 : i32
    %scan3A_10 = arith.constant 0 : i32
    %scan3A_11 = arith.constant 0 : i32
    %scan3A_12 = arith.constant 32 : i32
    %scan3A_13 = arith.addi %scan3A_11, %scan3A_12 : i32
    %scan3A_14 = arith.constant 1 : i32
    %scan3A_15 = scf.for %scan3A_24 = %scan3A_11 to %scan3A_13 step %scan3A_14 iter_args(%scan3A_25 = %scan3A_10) -> (i32)  : i32 {
      %rem3A = arith.constant 12 : i32
      %rem3A_26 = arith.remsi %scan3A_24, %rem3A : i32
      %mul3A_27 = arith.constant 1 : i32
      %mul3A_28 = arith.muli %scan3A_24, %mul3A_27 : i32
      %dma_wait3A = arith.constant 0 : i32
      %dma_wait3A_29 = arith.constant 0 : i32
      %dma_wait3A_30 = tpu.memref_slice %arg6[%rem3A_26, %dma_wait3A, %dma_wait3A_29] : memref<12x1x8192xf32, #tpu.memory_space<vmem>> -> memref<1x1x8192xf32, #tpu.memory_space<vmem>>
      %dma_wait3A_31 = tpu.memref_squeeze %dma_wait3A_30 : memref<1x1x8192xf32, #tpu.memory_space<vmem>> -> memref<1x8192xf32, #tpu.memory_space<vmem>>
      %dma_wait3A_32 = arith.constant 0 : i32
      %dma_wait3A_33 = tpu.memref_slice %arg2[%add3A, %mul3A_28, %dma_wait3A_32] : memref<32x32x8192xf32, #tpu.memory_space<hbm>> -> memref<1x1x8192xf32, #tpu.memory_space<hbm>>
      %dma_wait3A_34 = tpu.memref_squeeze %dma_wait3A_33 : memref<1x1x8192xf32, #tpu.memory_space<hbm>> -> memref<1x8192xf32, #tpu.memory_space<hbm>>
      %dma_wait3A_35 = tpu.memref_slice %arg7[%rem3A_26] : memref<12x!tpu.dma_semaphore, #tpu.memory_space<semaphore_mem>> -> memref<1x!tpu.dma_semaphore, #tpu.memory_space<semaphore_mem>>
      %dma_wait3A_36 = tpu.memref_squeeze %dma_wait3A_35 : memref<1x!tpu.dma_semaphore, #tpu.memory_space<semaphore_mem>> -> memref<!tpu.dma_semaphore, #tpu.memory_space<semaphore_mem>>
      %dma_wait3A_37 = arith.constant 0 : i32
      %dma_wait3A_38 = arith.constant 0 : i32
      %dma_wait3A_39 = tpu.memref_slice %arg6[%rem3A_26, %dma_wait3A_37, %dma_wait3A_38] : memref<12x1x8192xf32, #tpu.memory_space<vmem>> -> memref<1x1x8192xf32, #tpu.memory_space<vmem>>
      %dma_wait3A_40 = tpu.memref_squeeze %dma_wait3A_39 : memref<1x1x8192xf32, #tpu.memory_space<vmem>> -> memref<1x8192xf32, #tpu.memory_space<vmem>>
      %dma_wait3A_41 = arith.constant 0 : i32
      %dma_wait3A_42 = tpu.memref_slice %arg2[%add3A, %mul3A_28, %dma_wait3A_41] : memref<32x32x8192xf32, #tpu.memory_space<hbm>> -> memref<1x1x8192xf32, #tpu.memory_space<hbm>>
      %dma_wait3A_43 = tpu.memref_squeeze %dma_wait3A_42 : memref<1x1x8192xf32, #tpu.memory_space<hbm>> -> memref<1x8192xf32, #tpu.memory_space<hbm>>
      tpu.wait_dma2 semaphore(%dma_wait3A_36 : memref<!tpu.dma_semaphore, #tpu.memory_space<semaphore_mem>>) src(%dma_wait3A_43 : memref<1x8192xf32, #tpu.memory_space<hbm>>) dst(%dma_wait3A_40 : memref<1x8192xf32, #tpu.memory_space<vmem>>)
      %broadcast_in_dim3A = vector.broadcast %rem3A_26 : i32 to vector<16xi32>
      %scan3A_44 = arith.constant 0 : i32
      %scan3A_45 = arith.constant 0 : i32
      %scan3A_46 = arith.constant 4 : i32
      %scan3A_47 = arith.addi %scan3A_45, %scan3A_46 : i32
      %scan3A_48 = arith.constant 1 : i32
      %scan3A_49 = scf.for %scan3A_73 = %scan3A_45 to %scan3A_47 step %scan3A_48 iter_args(%scan3A_74 = %scan3A_44) -> (i32)  : i32 {
        %mul3A_75 = arith.constant 16 : i32
        %mul3A_76 = arith.muli %scan3A_73, %mul3A_75 : i32
        %get3A = arith.constant 0 : i32
        %get3A_77 = tpu.memref_slice %arg5[%scan3A_7, %get3A] : memref<3x64xi32, #tpu.memory_space<vmem>> -> memref<1x64xi32, #tpu.memory_space<vmem>>
        %get3A_78 = tpu.memref_squeeze %get3A_77 : memref<1x64xi32, #tpu.memory_space<vmem>> -> memref<64xi32, #tpu.memory_space<vmem>>
        %get3A_79 = arith.index_cast %mul3A_76 : i32 to index
        %get3A_80 = tpu.vector_load %get3A_78[%get3A_79] {strides = array<i32>} : memref<64xi32, #tpu.memory_space<vmem>>, vector<16xi32>,
        %mul3A_81 = arith.constant 16 : i32
        %mul3A_82 = arith.muli %scan3A_73, %mul3A_81 : i32
        %get3A_83 = arith.constant 0 : i32
        %get3A_84 = tpu.memref_slice %arg5[%scan3A_8, %get3A_83] : memref<3x64xi32, #tpu.memory_space<vmem>> -> memref<1x64xi32, #tpu.memory_space<vmem>>
        %get3A_85 = tpu.memref_squeeze %get3A_84 : memref<1x64xi32, #tpu.memory_space<vmem>> -> memref<64xi32, #tpu.memory_space<vmem>>
        %get3A_86 = arith.index_cast %mul3A_82 : i32 to index
        %get3A_87 = tpu.vector_load %get3A_85[%get3A_86] {strides = array<i32>} : memref<64xi32, #tpu.memory_space<vmem>>, vector<16xi32>,
        %mul3A_88 = arith.constant 16 : i32
        %mul3A_89 = arith.muli %scan3A_73, %mul3A_88 : i32
        %get3A_90 = arith.constant 0 : i32
        %get3A_91 = tpu.memref_slice %arg5[%scan3A_9, %get3A_90] : memref<3x64xi32, #tpu.memory_space<vmem>> -> memref<1x64xi32, #tpu.memory_space<vmem>>
        %get3A_92 = tpu.memref_squeeze %get3A_91 : memref<1x64xi32, #tpu.memory_space<vmem>> -> memref<64xi32, #tpu.memory_space<vmem>>
        %get3A_93 = arith.index_cast %mul3A_89 : i32 to index
        %get3A_94 = tpu.vector_load %get3A_92[%get3A_93] {strides = array<i32>} : memref<64xi32, #tpu.memory_space<vmem>>, vector<16xi32>,
        %gather3A = tpu.vector_load_idx %arg6[%broadcast_in_dim3A, %get3A_80, %get3A_87] : memref<12x1x8192xf32, #tpu.memory_space<vmem>>[vector<16xi32>, vector<16xi32>, vector<16xi32>], vector<16xf32>,
        tpu.vector_store_idx %arg6[%broadcast_in_dim3A, %get3A_80, %get3A_94], %gather3A : memref<12x1x8192xf32, #tpu.memory_space<vmem>>[vector<16xi32>, vector<16xi32>, vector<16xi32>], vector<16xf32>,
        %scan3A_95 = arith.constant 0 : i32
        scf.yield %scan3A_95 : i32
      }
      %scan3A_50 = arith.constant 4 : i32
      %mul3A_51 = arith.constant 1 : i32
      %mul3A_52 = arith.muli %scan3A_24, %mul3A_51 : i32
      %dma_start3A = arith.constant 0 : i32
      %dma_start3A_53 = arith.constant 0 : i32
      %dma_start3A_54 = tpu.memref_slice %arg6[%rem3A_26, %dma_start3A, %dma_start3A_53] : memref<12x1x8192xf32, #tpu.memory_space<vmem>> -> memref<1x1x8192xf32, #tpu.memory_space<vmem>>
      %dma_start3A_55 = tpu.memref_squeeze %dma_start3A_54 : memref<1x1x8192xf32, #tpu.memory_space<vmem>> -> memref<1x8192xf32, #tpu.memory_space<vmem>>
      %dma_start3A_56 = arith.constant 0 : i32
      %dma_start3A_57 = tpu.memref_slice %arg4[%add3A, %mul3A_52, %dma_start3A_56] : memref<32x32x8192xf32, #tpu.memory_space<hbm>> -> memref<1x1x8192xf32, #tpu.memory_space<hbm>>
      %dma_start3A_58 = tpu.memref_squeeze %dma_start3A_57 : memref<1x1x8192xf32, #tpu.memory_space<hbm>> -> memref<1x8192xf32, #tpu.memory_space<hbm>>
      %dma_start3A_59 = tpu.memref_slice %arg8[%rem3A_26] : memref<12x!tpu.dma_semaphore, #tpu.memory_space<semaphore_mem>> -> memref<1x!tpu.dma_semaphore, #tpu.memory_space<semaphore_mem>>
      %dma_start3A_60 = tpu.memref_squeeze %dma_start3A_59 : memref<1x!tpu.dma_semaphore, #tpu.memory_space<semaphore_mem>> -> memref<!tpu.dma_semaphore, #tpu.memory_space<semaphore_mem>>
      %dma_start3A_61 = arith.constant 0 : i32
      %dma_start3A_62 = tpu.memref_slice %arg4[%add3A, %mul3A_52, %dma_start3A_61] : memref<32x32x8192xf32, #tpu.memory_space<hbm>> -> memref<1x1x8192xf32, #tpu.memory_space<hbm>>
      %dma_start3A_63 = tpu.memref_squeeze %dma_start3A_62 : memref<1x1x8192xf32, #tpu.memory_space<hbm>> -> memref<1x8192xf32, #tpu.memory_space<hbm>>
      %dma_start3A_64 = arith.constant 0 : i32
      %dma_start3A_65 = arith.constant 0 : i32
      %dma_start3A_66 = tpu.memref_slice %arg6[%rem3A_26, %dma_start3A_64, %dma_start3A_65] : memref<12x1x8192xf32, #tpu.memory_space<vmem>> -> memref<1x1x8192xf32, #tpu.memory_space<vmem>>
      %dma_start3A_67 = tpu.memref_squeeze %dma_start3A_66 : memref<1x1x8192xf32, #tpu.memory_space<vmem>> -> memref<1x8192xf32, #tpu.memory_space<vmem>>
      tpu.enqueue_dma source(%dma_start3A_67 : memref<1x8192xf32, #tpu.memory_space<vmem>>) target(%dma_start3A_63 : memref<1x8192xf32, #tpu.memory_space<hbm>>) target_semaphore(%dma_start3A_60 : memref<!tpu.dma_semaphore, #tpu.memory_space<semaphore_mem>>)
      %add3A_68 = arith.constant 6 : i32
      %add3A_69 = arith.addi %scan3A_24, %add3A_68 : i32
      %lt3A = arith.constant 32 : i32
      %lt3A_70 = arith.cmpi slt, %add3A_69, %lt3A : i32
      %convert_element_type3A = arith.extui %lt3A_70 : i1 to i32
      %cond3A = arith.constant 0 : i32
      %cond3A_71 = arith.cmpi ne, %convert_element_type3A, %cond3A : i32
      scf.if %cond3A_71 {
        %rem3A_73 = arith.constant 12 : i32
        %rem3A_74 = arith.remsi %add3A_69, %rem3A_73 : i32
        %sub3A = arith.constant 12 : i32
        %sub3A_75 = arith.subi %add3A_69, %sub3A : i32
        %ge3A = arith.constant 0 : i32
        %ge3A_76 = arith.cmpi sge, %sub3A_75, %ge3A : i32
        %convert_element_type3A_77 = arith.extui %ge3A_76 : i1 to i32
        %cond3A_78 = arith.constant 0 : i32
        %cond3A_79 = arith.cmpi ne, %convert_element_type3A_77, %cond3A_78 : i32
        scf.if %cond3A_79 {
          %mul3A_98 = arith.constant 1 : i32
          %mul3A_99 = arith.muli %sub3A_75, %mul3A_98 : i32
          %dma_wait3A_100 = arith.constant 0 : i32
          %dma_wait3A_101 = arith.constant 0 : i32
          %dma_wait3A_102 = tpu.memref_slice %arg6[%rem3A_74, %dma_wait3A_100, %dma_wait3A_101] : memref<12x1x8192xf32, #tpu.memory_space<vmem>> -> memref<1x1x8192xf32, #tpu.memory_space<vmem>>
          %dma_wait3A_103 = tpu.memref_squeeze %dma_wait3A_102 : memref<1x1x8192xf32, #tpu.memory_space<vmem>> -> memref<1x8192xf32, #tpu.memory_space<vmem>>
          %dma_wait3A_104 = arith.constant 0 : i32
          %dma_wait3A_105 = tpu.memref_slice %arg4[%add3A, %mul3A_99, %dma_wait3A_104] : memref<32x32x8192xf32, #tpu.memory_space<hbm>> -> memref<1x1x8192xf32, #tpu.memory_space<hbm>>
          %dma_wait3A_106 = tpu.memref_squeeze %dma_wait3A_105 : memref<1x1x8192xf32, #tpu.memory_space<hbm>> -> memref<1x8192xf32, #tpu.memory_space<hbm>>
          %dma_wait3A_107 = tpu.memref_slice %arg8[%rem3A_74] : memref<12x!tpu.dma_semaphore, #tpu.memory_space<semaphore_mem>> -> memref<1x!tpu.dma_semaphore, #tpu.memory_space<semaphore_mem>>
          %dma_wait3A_108 = tpu.memref_squeeze %dma_wait3A_107 : memref<1x!tpu.dma_semaphore, #tpu.memory_space<semaphore_mem>> -> memref<!tpu.dma_semaphore, #tpu.memory_space<semaphore_mem>>
          %dma_wait3A_109 = arith.constant 0 : i32
          %dma_wait3A_110 = tpu.memref_slice %arg4[%add3A, %mul3A_99, %dma_wait3A_109] : memref<32x32x8192xf32, #tpu.memory_space<hbm>> -> memref<1x1x8192xf32, #tpu.memory_space<hbm>>
          %dma_wait3A_111 = tpu.memref_squeeze %dma_wait3A_110 : memref<1x1x8192xf32, #tpu.memory_space<hbm>> -> memref<1x8192xf32, #tpu.memory_space<hbm>>
          %dma_wait3A_112 = arith.constant 0 : i32
          %dma_wait3A_113 = arith.constant 0 : i32
          %dma_wait3A_114 = tpu.memref_slice %arg6[%rem3A_74, %dma_wait3A_112, %dma_wait3A_113] : memref<12x1x8192xf32, #tpu.memory_space<vmem>> -> memref<1x1x8192xf32, #tpu.memory_space<vmem>>
          %dma_wait3A_115 = tpu.memref_squeeze %dma_wait3A_114 : memref<1x1x8192xf32, #tpu.memory_space<vmem>> -> memref<1x8192xf32, #tpu.memory_space<vmem>>
          tpu.wait_dma2 semaphore(%dma_wait3A_108 : memref<!tpu.dma_semaphore, #tpu.memory_space<semaphore_mem>>) src(%dma_wait3A_115 : memref<1x8192xf32, #tpu.memory_space<vmem>>) dst(%dma_wait3A_111 : memref<1x8192xf32, #tpu.memory_space<hbm>>)
        } else {
        }
        %mul3A_80 = arith.constant 1 : i32
        %mul3A_81 = arith.muli %add3A_69, %mul3A_80 : i32
        %dma_start3A_82 = arith.constant 0 : i32
        %dma_start3A_83 = arith.constant 0 : i32
        %dma_start3A_84 = tpu.memref_slice %arg6[%rem3A_74, %dma_start3A_82, %dma_start3A_83] : memref<12x1x8192xf32, #tpu.memory_space<vmem>> -> memref<1x1x8192xf32, #tpu.memory_space<vmem>>
        %dma_start3A_85 = tpu.memref_squeeze %dma_start3A_84 : memref<1x1x8192xf32, #tpu.memory_space<vmem>> -> memref<1x8192xf32, #tpu.memory_space<vmem>>
        %dma_start3A_86 = arith.constant 0 : i32
        %dma_start3A_87 = tpu.memref_slice %arg2[%add3A, %mul3A_81, %dma_start3A_86] : memref<32x32x8192xf32, #tpu.memory_space<hbm>> -> memref<1x1x8192xf32, #tpu.memory_space<hbm>>
        %dma_start3A_88 = tpu.memref_squeeze %dma_start3A_87 : memref<1x1x8192xf32, #tpu.memory_space<hbm>> -> memref<1x8192xf32, #tpu.memory_space<hbm>>
        %dma_start3A_89 = tpu.memref_slice %arg7[%rem3A_74] : memref<12x!tpu.dma_semaphore, #tpu.memory_space<semaphore_mem>> -> memref<1x!tpu.dma_semaphore, #tpu.memory_space<semaphore_mem>>
        %dma_start3A_90 = tpu.memref_squeeze %dma_start3A_89 : memref<1x!tpu.dma_semaphore, #tpu.memory_space<semaphore_mem>> -> memref<!tpu.dma_semaphore, #tpu.memory_space<semaphore_mem>>
        %dma_start3A_91 = arith.constant 0 : i32
        %dma_start3A_92 = arith.constant 0 : i32
        %dma_start3A_93 = tpu.memref_slice %arg6[%rem3A_74, %dma_start3A_91, %dma_start3A_92] : memref<12x1x8192xf32, #tpu.memory_space<vmem>> -> memref<1x1x8192xf32, #tpu.memory_space<vmem>>
        %dma_start3A_94 = tpu.memref_squeeze %dma_start3A_93 : memref<1x1x8192xf32, #tpu.memory_space<vmem>> -> memref<1x8192xf32, #tpu.memory_space<vmem>>
        %dma_start3A_95 = arith.constant 0 : i32
        %dma_start3A_96 = tpu.memref_slice %arg2[%add3A, %mul3A_81, %dma_start3A_95] : memref<32x32x8192xf32, #tpu.memory_space<hbm>> -> memref<1x1x8192xf32, #tpu.memory_space<hbm>>
        %dma_start3A_97 = tpu.memref_squeeze %dma_start3A_96 : memref<1x1x8192xf32, #tpu.memory_space<hbm>> -> memref<1x8192xf32, #tpu.memory_space<hbm>>
        tpu.enqueue_dma source(%dma_start3A_97 : memref<1x8192xf32, #tpu.memory_space<hbm>>) target(%dma_start3A_94 : memref<1x8192xf32, #tpu.memory_space<vmem>>) target_semaphore(%dma_start3A_90 : memref<!tpu.dma_semaphore, #tpu.memory_space<semaphore_mem>>)
      } else {
      }
      %scan3A_72 = arith.constant 0 : i32
      scf.yield %scan3A_72 : i32
    }
    %scan3A_16 = arith.constant 32 : i32
    %scan3A_17 = arith.constant 0 : i32
    %scan3A_18 = arith.constant 20 : i32
    %scan3A_19 = arith.constant 12 : i32
    %scan3A_20 = arith.addi %scan3A_18, %scan3A_19 : i32
    %scan3A_21 = arith.constant 1 : i32
    %scan3A_22 = scf.for %scan3A_24 = %scan3A_18 to %scan3A_20 step %scan3A_21 iter_args(%scan3A_25 = %scan3A_17) -> (i32)  : i32 {
      %rem3A = arith.constant 12 : i32
      %rem3A_26 = arith.remsi %scan3A_24, %rem3A : i32
      %mul3A_27 = arith.constant 1 : i32
      %mul3A_28 = arith.muli %scan3A_24, %mul3A_27 : i32
      %dma_wait3A = arith.constant 0 : i32
      %dma_wait3A_29 = arith.constant 0 : i32
      %dma_wait3A_30 = tpu.memref_slice %arg6[%rem3A_26, %dma_wait3A, %dma_wait3A_29] : memref<12x1x8192xf32, #tpu.memory_space<vmem>> -> memref<1x1x8192xf32, #tpu.memory_space<vmem>>
      %dma_wait3A_31 = tpu.memref_squeeze %dma_wait3A_30 : memref<1x1x8192xf32, #tpu.memory_space<vmem>> -> memref<1x8192xf32, #tpu.memory_space<vmem>>
      %dma_wait3A_32 = arith.constant 0 : i32
      %dma_wait3A_33 = tpu.memref_slice %arg4[%add3A, %mul3A_28, %dma_wait3A_32] : memref<32x32x8192xf32, #tpu.memory_space<hbm>> -> memref<1x1x8192xf32, #tpu.memory_space<hbm>>
      %dma_wait3A_34 = tpu.memref_squeeze %dma_wait3A_33 : memref<1x1x8192xf32, #tpu.memory_space<hbm>> -> memref<1x8192xf32, #tpu.memory_space<hbm>>
      %dma_wait3A_35 = tpu.memref_slice %arg8[%rem3A_26] : memref<12x!tpu.dma_semaphore, #tpu.memory_space<semaphore_mem>> -> memref<1x!tpu.dma_semaphore, #tpu.memory_space<semaphore_mem>>
      %dma_wait3A_36 = tpu.memref_squeeze %dma_wait3A_35 : memref<1x!tpu.dma_semaphore, #tpu.memory_space<semaphore_mem>> -> memref<!tpu.dma_semaphore, #tpu.memory_space<semaphore_mem>>
      %dma_wait3A_37 = arith.constant 0 : i32
      %dma_wait3A_38 = tpu.memref_slice %arg4[%add3A, %mul3A_28, %dma_wait3A_37] : memref<32x32x8192xf32, #tpu.memory_space<hbm>> -> memref<1x1x8192xf32, #tpu.memory_space<hbm>>
      %dma_wait3A_39 = tpu.memref_squeeze %dma_wait3A_38 : memref<1x1x8192xf32, #tpu.memory_space<hbm>> -> memref<1x8192xf32, #tpu.memory_space<hbm>>
      %dma_wait3A_40 = arith.constant 0 : i32
      %dma_wait3A_41 = arith.constant 0 : i32
      %dma_wait3A_42 = tpu.memref_slice %arg6[%rem3A_26, %dma_wait3A_40, %dma_wait3A_41] : memref<12x1x8192xf32, #tpu.memory_space<vmem>> -> memref<1x1x8192xf32, #tpu.memory_space<vmem>>
      %dma_wait3A_43 = tpu.memref_squeeze %dma_wait3A_42 : memref<1x1x8192xf32, #tpu.memory_space<vmem>> -> memref<1x8192xf32, #tpu.memory_space<vmem>>
      tpu.wait_dma2 semaphore(%dma_wait3A_36 : memref<!tpu.dma_semaphore, #tpu.memory_space<semaphore_mem>>) src(%dma_wait3A_43 : memref<1x8192xf32, #tpu.memory_space<vmem>>) dst(%dma_wait3A_39 : memref<1x8192xf32, #tpu.memory_space<hbm>>)
      %scan3A_44 = arith.constant 0 : i32
      scf.yield %scan3A_44 : i32
    }
    %scan3A_23 = arith.constant 12 : i32
    return
  }
}

</mosaic_0001>

<sc_bundles>
// kernel: kernel.3.cloned.1.call-start
scs
__scs_entry_jumppad:
0x0: {  	(pc) =	sbr.rel $0x88, $3  }
0x1: {  	(tag) =	ssettag $0x0;
	lr =	simm.s32 $0x1  }
0x2: {  	[smem:$0x3FA0] =	sst lr;
	_ =	strace $0xD0000000  }
0x3: {  	_ = 	snop  }
0x4: {  	_ = 	snop  }
0x5: {  	_ = 	snop  }
0x6: {  	_ = 	snop  }
0x7: {  	_ = 	snop  }
__scs_overlays_trampoline_lowered:
0x8: {  	[smem:$0x3FAF] =	sst s0  }
0x9: {  	[smem:$0x3FB0] =	sst s1  }
0xa: {  	[smem:$0x3FB1] =	sst s2  }
0xb: {  	[smem:$0x3FB2] =	sst s3  }
0xc: {  	[smem:$0x3FB3] =	sst s4  }
0xd: {  	[smem:$0x3FB4] =	sst s5  }
0xe: {  	[smem:$0x3FB5] =	sst s6  }
0xf: {  	[smem:$0x3FB6] =	sst s7  }
0x10: {  	[smem:$0x3FB7] =	sst s8  }
0x11: {  	[smem:$0x3FB8] =	sst s9;
	s0 =	simm.s32 @!p0 $0x0  }
0x12: {  	s1 =	sld [smem:$0x3F9E];
	s0 =	simm.s32 @p0 $0x1  }
0x13: {  	[smem:$0x3FB9] =	sst s0;
	s0 =	simm.s32 @!p1 $0x0  }
0x14: {  	s2 =	sld [smem:$0x3F9D];
	s0 =	simm.s32 @p1 $0x1  }
0x15: {  	[smem:$0x3FBA] =	sst s0;
	s0 =	simm.s32 @!p2 $0x0  }
0x16: {  	s3 =	sld [smem:$0x3FDB];
	s0 =	simm.s32 @p2 $0x1  }
0x17: {  	s4 =	simm.s32 $0x1BF5;
	[smem:$0x3FBC] =	sst s0  }
0x18: {  	s0 =	sld [smem:$0x3F9F];
	_ =	swait.ge [sflag:s4], $0x0  }
0x19: {  	s7 =	sld [smem:$0x3FA0]  }
0x1a: {  	s8 =	sadd.s32 $0xFFFFE003, lr  }
0x1b: {  	s9 =	sadd.s32 $0xFFFFFEF7, lr;
	s5 =	simm.s32 $0xFFFFFFFF;
	p2 =	slt.u32 s8, $0xFFFFF086  }
0x1c: {  	p1 =	slt.u32 s9, $0xF7A;
	s5 =	simm.s32 @!p2 $0x0  }
0x1d: {  	s5 =	simm.s32 @p1 $0x1;
	p0 =	seq.s32 s7, s2  }
0x1e: {  	s7 =	smul.u32 @!p0 $0xF7A, s2;
	p2 =	seq.s32 @!p0 s5, $0x0  }
0x1f: {  	s9 =	smul.u32 $0xF7A, s1;
	s8 =	simm.s32 @!p0 $0x1BF5;
	p2 =	por !p2, p0  }
0x20: {  	[sflag:s8] =	ssyncset.s32 @!p0 $0xFFFFF086;
	s6 =	sadd.s32 @!p0 s3, s7;
	s7 =	simm.s32 @!p0 $0x108  }
0x21: {  	s3 =	sadd.s32 s3, s9;
	s6 =	sadd.s32 @!p0 $0x88, s6;
	s7 =	simm.s32 @p2 $0x1082  }
0x22: {  	[simem:s7], [sflag:s8] =	dma.local @!p0 [hbm:s6], $0xF7A  }
0x23: {  	s9 =	sor.u32 $0xD0000000, s2;
	s6 =	simm.s32 $0x108;
	_ =	swait.ge @!p0 [sflag:s8], $0x0  }
0x24: {  	s3 =	sadd.s32 $0x88, s3;
	s6 =	simm.s32 @!p1 $0x1082;
	[sflag:s4] =	ssyncset.s32 $0xFFFFF086  }
0x25: {  	[simem:s6], [sflag:s4] =	dma.local [hbm:s3], $0xF7A  }
0x26: {  	[smem:$0x3FA0] =	sst s1;
	(tag) =	ssettag s2;
	_ =	strace s9  }
0x27: {  	s1 =	sld [smem:$0x3FB0]  }
0x28: {  	s2 =	sld [smem:$0x3FB1]  }
0x29: {  	s4 =	sld [smem:$0x3FB3]  }
0x2a: {  	p0 =	seq.s32 s5, $0x0;
	s5 =	sld [smem:$0x3FB4]  }
0x2b: {  	s6 =	sld [smem:$0x3FB5]  }
0x2c: {  	s7 =	sld [smem:$0x3FB6]  }
0x2d: {  	s3 =	simm.s32 $0x108;
	s8 =	sld [smem:$0x3FB7]  }
0x2e: {  	s3 =	simm.s32 @!p0 $0x1082;
	s9 =	sld [smem:$0x3FB8]  }
0x2f: {  	lr =	sadd.s32 s0, s3;
	s0 =	sld [smem:$0x3FAF]  }
0x30: {  	s3 =	sld [smem:$0x3FB2]  }
0x31: {  	[smem:$0x3FBB] =	sst s10  }
0x32: {  	s10 =	sld [smem:$0x3FB9];
	_ =	sdelay $0x3  }
0x33: {  	p0 =	seq.s32 s10, $0x1;
	s10 =	sld [smem:$0x3FBB];
	_ =	sdelay $0x3  }
0x34: {  	[smem:$0x3FBB] =	sst s10  }
0x35: {  	s10 =	sld [smem:$0x3FBA];
	_ =	sdelay $0x3  }
0x36: {  	p1 =	seq.s32 s10, $0x1;
	s10 =	sld [smem:$0x3FBB];
	_ =	sdelay $0x3  }
0x37: {  	[smem:$0x3FBB] =	sst s10  }
0x38: {  	s10 =	sld [smem:$0x3FBC]  }
0x39: {  	_ = 	snop;
	(pc) =	sbr.ind lr, $3  }
0x3a: {  	_ = 	snop  }
0x3b: {  	_ = 	snop  }
0x3c: {  	p2 =	seq.s32 s10, $0x1;
	s10 =	sld [smem:$0x3FBB]  }
0x3d: {  	_ =	shalt  }
0x3e: {  	_ =	shalt  }
0x3f: {  	_ =	shalt  }
0x40: {  	_ =	shalt  }
0x41: {  	_ =	shalt  }
0x42: {  	_ =	shalt  }
0x43: {  	_ =	shalt  }
0x44: {  	_ =	shalt  }
0x45: {  	_ =	shalt  }
0x46: {  	_ =	shalt  }
0x47: {  	_ =	shalt  }
0x48: {  	_ =	shalt  }
0x49: {  	_ =	shalt  }
0x4a: {  	_ =	shalt  }
0x4b: {  	_ =	shalt  }
0x4c: {  	_ =	shalt  }
0x4d: {  	_ =	shalt  }
0x4e: {  	_ =	shalt  }
0x4f: {  	_ =	shalt  }
0x50: {  	_ =	shalt  }
0x51: {  	_ =	shalt  }
0x52: {  	_ =	shalt  }
0x53: {  	_ =	shalt  }
0x54: {  	_ =	shalt  }
0x55: {  	_ =	shalt  }
0x56: {  	_ =	shalt  }
0x57: {  	_ =	shalt  }
0x58: {  	_ =	shalt  }
0x59: {  	_ =	shalt  }
0x5a: {  	_ =	shalt  }
0x5b: {  	_ =	shalt  }
0x5c: {  	_ =	shalt  }
0x5d: {  	_ =	shalt  }
0x5e: {  	_ =	shalt  }
0x5f: {  	_ =	shalt  }
0x60: {  	_ =	shalt  }
0x61: {  	_ =	shalt  }
0x62: {  	_ =	shalt  }
0x63: {  	_ =	shalt  }
0x64: {  	_ =	shalt  }
0x65: {  	_ =	shalt  }
0x66: {  	_ =	shalt  }
0x67: {  	_ =	shalt  }
0x68: {  	_ =	shalt  }
0x69: {  	_ =	shalt  }
0x6a: {  	_ =	shalt  }
0x6b: {  	_ =	shalt  }
0x6c: {  	_ =	shalt  }
0x6d: {  	_ =	shalt  }
0x6e: {  	_ =	shalt  }
0x6f: {  	_ =	shalt  }
0x70: {  	_ =	shalt  }
0x71: {  	_ =	shalt  }
0x72: {  	_ =	shalt  }
0x73: {  	_ =	shalt  }
0x74: {  	_ =	shalt  }
0x75: {  	_ =	shalt  }
0x76: {  	_ =	shalt  }
0x77: {  	_ =	shalt  }
0x78: {  	_ =	shalt  }
0x79: {  	_ =	shalt  }
0x7a: {  	_ =	shalt  }
0x7b: {  	_ =	shalt  }
0x7c: {  	_ =	shalt  }
0x7d: {  	_ =	shalt  }
0x7e: {  	_ =	shalt  }
0x7f: {  	_ =	shalt  }
0x80: {  	_ =	shalt  }
0x81: {  	_ =	shalt  }
0x82: {  	_ =	shalt  }
0x83: {  	_ =	shalt  }
0x84: {  	_ =	shalt  }
0x85: {  	_ =	shalt  }
0x86: {  	_ =	shalt  }
0x87: {  	_ =	shalt  }
.Lfunc_end0:
.L_simem_size_0:
called_computation_lowered:
.L_overlay_start_0:
0x88: {  	s2 =	sld [smem:$0x3FD9]  }
0x89: {  	s3 =	sld [smem:$0x3FFE];
	_ =	sdelay $0x1  }
0x8a: {  	s1 =	srdreg.scid  }
0x8b: {  	s0 =	sand.u32 $0x1, s1  }
0x8c: {  	s17 =	sshll.u32 s0, $0xA;
	s2 =	sadd.s32 s3, s2  }
0x8d: {  	s2 =	sadd.s32 s2, s17  }
0x8e: {  	[smem:$0x3FC7] =	sst s2  }
0x8f: {  	_ = 	snop  }
0x90: {  	s2 =	sld [smem:$0x3FC9]  }
0x91: {  	s18 =	sld [smem:$0x3FD0];
	(tm) =	ssettm $0x1  }
0x92: {  	s4 =	sld [smem:$0x3FFB];
	_ =	sdelay $0x3  }
0x93: {  	_ =	strace s4  }
0x94: {  	s4 =	sld [smem:$0x3FFC];
	_ =	sdelay $0x3  }
0x95: {  	_ =	strace s4  }
0x96: {  	s4 =	sld [smem:$0x3FFD];
	_ =	sdelay $0x3  }
0x97: {  	_ =	strace s4  }
0x98: {  	_ =	strace $0x8FFFFFFF  }
0x99: {  	s19 =	sld [smem:$0x3FDB];
	_ =	sdelay $0x1  }
0x9a: {  	s5 =	simm.s32 $_scs_section_size  }
0x9b: {  	s6 =	simm.s32 $_size__tile_overlayer_lowered;
	s7 =	simm.s32 $_tile_overlayer_lowered  }
0x9c: {  	s22 =	simm.s32 $0x1BFF;
	s21 =	sshll.u32 s7, $0x1;
	s4 =	sadd.s32 s5, s19  }
0x9d: {  	s8 =	simm.s32 $0x0;
	s20 =	sshll.u32 s6, $0x1;
	s6 =	sadd.s32 s21, s4  }
0x9e: {  	[timem:s8], [sflag:s22] =	dma.local [hbm:s6], s20  }
0x9f: {  	_ =	swait.ge [sflag:s22], s20  }
0xa0: {  	s5 =	ssub.s32 $0x0, s20;
	[sflag:s22] =	ssyncset.done $0x0  }
0xa1: {  	[sflag:s22] =	ssyncadd.s32 s5;
	_ =	sdelay $0x1  }
0xa2: {  	s23 =	simm.s32 $0x1B8B  }
0xa3: {  	_ =	swait.ge [sflag:s23], $0x1  }
0xa4: {  	[sflag:s23] =	ssyncset.done $0x0  }
0xa5: {  	s25 =	simm.s32 $0x1B8E;
	s24 =	sld [smem:$0x3FFE];
	[sflag:s23] =	ssyncadd.s32 $0xFFFFFFFF  }
0xa6: {  	s26 =	simm.s32 $execute0_lowered;
	[smem:$0x3FD2] =	sst s25  }
0xa7: {  	s6 =	sshll.u32 s26, $0x1;
	_ =	strace $0x80000046;
	[dreg:$0x1] =	wrdreg $0xFFFFFFFF  }
0xa8: {  	s28 =	simm.s32 $_size_execute0_lowered;
	s4 =	sadd.s32 s4, s6;
	[dreg:$0x0] =	wrdreg $0x0  }
0xa9: {  	s6 =	sshll.u32 s28, $0x1;
	[dreg:$0x2] =	wrdreg s4  }
0xaa: {  	[dreg:$0x3] =	wrdreg s6  }
0xab: {  	[dreg:$0x4] =	wrdreg $0xC0  }
0xac: {  	_ =	task [dreg:s8], $0x5FFFF  }
0xad: {  	[dreg:$0x1] =	wrdreg $0xFFFFFFFF  }
0xae: {  	[dreg:$0x0] =	wrdreg $0x60  }
0xaf: {  	[dreg:$0x2] =	wrdreg s2  }
0xb0: {  	[dreg:$0x3] =	wrdreg s24  }
0xb1: {  	[dreg:$0x4] =	wrdreg s18  }
0xb2: {  	[dreg:$0x5] =	wrdreg $0x9  }
0xb3: {  	_ =	task.clear_ibuf [dreg:s8], $0x6FFFF;
	_ =	strace $0x90000046  }
0xb4: {  	s29 =	simm.s32 $0x9;
	_ =	strace $0x80000048  }
0xb5: {  	_ =	swait.ge [sflag:s29], $0x1  }
0xb6: {  	[sflag:s29] =	ssyncadd.s32 $0xFFFFFFFF  }
0xb7: {  	_ =	strace $0x90000048  }
0xb8: {  	_ =	sfence  }
0xb9: {  	s30 =	sld [smem:$0x0];
	_ =	sdelay $0x2  }
0xba: {  	s31 =	sshll.u32 s1, $0xD;
	s1 =	sshrl.u32 s1, $0x2  }
0xbb: {  	s3 =	sand.u32 $0x4000, s31;
	s1 =	sadd.s32 s1, s30  }
0xbc: {  	s0 =	sor.u32 s3, s0;
	s1 =	sshll.u32 s1, $0x11  }
0xbd: {  	s0 =	sor.u32 s1, s0  }
0xbe: {  	s0 =	sadd.s32 $0x8F2B, s0  }
0xbf: {  	[sflag:s0] =	ssyncadd.remote.s32 $0x1  }
0xc0: {  	_ =	sfence.sel $0xFFFF  }
0xc1: {  	[dreg:$0x0] =	wrdreg $0xFFFFFFFF;
	(pc) =	sbr.abs _section_cstart, $3  }
0xc2: {  	[dreg:$0x1] =	wrdreg $0xFFFFFFFF  }
0xc3: {  	_ =	task.clear_ibuf [dreg:s8], $0x2FFFF;
	_ =	strace $0x9FFFFFFF  }
0xc4: {  	(tm) =	ssettm $0x7FFFFFFF  }
0xc5: {  	_ =	shalt  }
tec
execute0_lowered:
.L_overlay_start_1:
0x0: {  	(tag) =	ssettag $0x1  }
0x1: {  	s1 =	rddreg [dreg:$0x0]  }
0x2: {  	s4 =	rddreg [dreg:$0x1]  }
0x3: {  	s0 =	rddreg [dreg:$0x2];
	s3 =	simm.s32 $0x0  }
0x4: {  	s5 =	srdreg.scid;
	s2 =	stileid.u32;
	s13 =	simm.s32 $0x80  }
0x5: {  	s14 =	simm.s32 $0x400;
	s15 =	simm.s32 $0x200;
	s16 =	simm.s32 $0x2200  }
0x6: {  	s17 =	simm.s32 $0x4200;
	s18 =	simm.s32 $0x6200;
	s19 =	simm.s32 $0x8200  }
0x7: {  	s20 =	simm.s32 $0xA200;
	s21 =	simm.s32 $0x19;
	s22 =	simm.s32 $0x0  }
0x8: {  	[dreg:$0x4] =	wrdreg s0;
	s5 =	sand.u32 $0x1, s5;
	s6 =	sshll.u32 s2, $0x1  }
0x9: {  	[smem:$0x7FF] =	sst s3;
	s6 =	sor.u32 s5, s6;
	s5 =	ssub.s32 $0x2, s5  }
0xa: {  	_ =	strace $0x80000047;
	s7 =	sshll.u32 s6, $0x6;
	s8 =	sshrl.u32 s5, $0x1  }
0xb: {  	s9 =	sshll.u32 s6, $0xF;
	s6 =	sshll.u32 s6, $0x12;
	s7 =	sadd.s32 s7, s4  }
0xc: {  	s8 =	ssub.s32 s5, s8;
	s4 =	sadd.s32 s1, s9;
	s5 =	sadd.s32 $0x400, s7  }
0xd: {  	s7 =	smax.u32 s8, $0x1;
	s8 =	sadd.s32 $0x10, s4;
	s9 =	sadd.s32 $0x20, s4  }
0xe: {  	s10 =	sadd.s32 $0x30, s4;
	s11 =	sadd.s32 $0x40, s4;
	s12 =	sadd.s32 $0x50, s4  }
.LBB2_1:
0xf: {  	[tilespmem:s15], [sflag:$0x1] =	stream.strided.gather [hbm4b:s4+s13], $0x2000, s14, s13, $0x38;
	[tilespmem:$0x18200] =	vst v63  }
0x10: {  	_ = 	snop  }
0x11: {  	[tilespmem:s16], [sflag:$0x2] =	stream.strided.gather [hbm4b:s8+s13], $0x2000, s14, s13, $0x38;
	[tilespmem:$0x18200] =	vst v63  }
0x12: {  	_ = 	snop  }
0x13: {  	[tilespmem:s17], [sflag:$0x3] =	stream.strided.gather [hbm4b:s9+s13], $0x2000, s14, s13, $0x38;
	[tilespmem:$0x18200] =	vst v63  }
0x14: {  	_ = 	snop  }
0x15: {  	[tilespmem:s18], [sflag:$0x4] =	stream.strided.gather [hbm4b:s10+s13], $0x2000, s14, s13, $0x38;
	[tilespmem:$0x18200] =	vst v63  }
0x16: {  	_ = 	snop  }
0x17: {  	[tilespmem:s19], [sflag:$0x5] =	stream.strided.gather [hbm4b:s11+s13], $0x2000, s14, s13, $0x38;
	[tilespmem:$0x18200] =	vst v63  }
0x18: {  	_ = 	snop  }
0x19: {  	[tilespmem:s20], [sflag:$0x6] =	stream.strided.gather [hbm4b:s12+s13], $0x2000, s14, s13, $0x38;
	[tilespmem:$0x18200] =	vst v63  }
0x1a: {  	_ = 	snop  }
0x1b: {  	[tilespmem:s3], [sflag:$0x19] =	stream.linear.gather [hbm4b:s5+s3], $0x180, $0x38;
	[tilespmem:$0x18200] =	vst v63  }
0x1c: {  	_ =	swait.ge [sflag:s21], $0x180  }
0x1d: {  	s23 =	simm.s32 $0xC000;
	[sflag:s21] =	ssyncset.done $0x0  }
0x1e: {  	s24 =	simm.s32 $0x300;
	s25 =	simm.s32 $0x0;
	[sflag:s21] =	ssyncadd.s32 $0xFFFFFE80  }
.LBB2_2:
0x1f: {  	s26 =	smul.u32 $0xAB, s25;
	_ =	sdelay $0x1  }
0x20: {  	s26 =	sshrl.u32 s26, $0xB  }
0x21: {  	s26 =	sand.u32 $0x1F, s26  }
0x22: {  	s26 =	smul.u32 $0xC, s26;
	_ =	sdelay $0x1  }
0x23: {  	s26 =	ssub.s32 s25, s26  }
0x24: {  	s26 =	sand.u32 $0xFF, s26  }
0x25: {  	s28 =	sadd.s32 $0x1, s26  }
0x26: {  	_ =	swait.ge [sflag:s28], $0x2000  }
0x27: {  	[sflag:s28] =	ssyncset.done $0x0  }
0x28: {  	[sflag:s28] =	ssyncadd.s32 $0xFFFFE000  }
0x29: {  	v0 =	vld [tilespmem:$0x100]  }
0x2a: {  	v1 =	vld [tilespmem:$0x80];
	_ =	sdelay $0x3  }
0x2b: {  	s28 =	sshll.u32 s26, $0xD;
	v0 =	vshll.u32 v0, $0xD  }
0x2c: {  	v2 =	vld [tilespmem:$0x0];
	v3 =	vand.u32 $0xFFFFFF80, v1;
	v0 =	vadd.s32 s28, v0  }
0x2d: {  	v1 =	vand.u32 $0x7F, v1;
	v3 =	vadd.s32 v3, v0  }
0x2e: {  	v1 =	vor.u32 v1, v3;
	_ =	sdelay $0x2  }
0x2f: {  	v54 =	vand.u32 $0xFFFFFF80, v2  }
0x30: {  	v2 =	vand.u32 $0x7F, v2;
	v0 =	vadd.s32 v0, v54  }
0x31: {  	v0 =	vor.u32 v2, v0;
	v1 =	vld.idx.msk [tilespmem:v1+s15+$0x0], $0xffff;
	_ =	sdelay $0x4  }
0x32: {  	[tilespmem:v0+s15+$0x0] =	vst.idx.msk $0xffff, v1  }
0x33: {  	v0 =	vld [tilespmem:$0x110]  }
0x34: {  	v1 =	vld [tilespmem:$0x90];
	_ =	sdelay $0x3  }
0x35: {  	v0 =	vshll.u32 v0, $0xD  }
0x36: {  	v55 =	vld [tilespmem:$0x10];
	v56 =	vand.u32 $0xFFFFFF80, v1;
	v0 =	vadd.s32 s28, v0  }
0x37: {  	v1 =	vand.u32 $0x7F, v1;
	v3 =	vadd.s32 v56, v0  }
0x38: {  	v1 =	vor.u32 v1, v3;
	_ =	sdelay $0x2  }
0x39: {  	v57 =	vand.u32 $0xFFFFFF80, v55  }
0x3a: {  	v2 =	vand.u32 $0x7F, v55;
	v0 =	vadd.s32 v0, v57  }
0x3b: {  	v0 =	vor.u32 v2, v0;
	v1 =	vld.idx.msk [tilespmem:v1+s15+$0x0], $0xffff;
	_ =	sdelay $0x4  }
0x3c: {  	[tilespmem:v0+s15+$0x0] =	vst.idx.msk $0xffff, v1  }
0x3d: {  	v0 =	vld [tilespmem:$0x120]  }
0x3e: {  	v1 =	vld [tilespmem:$0xA0];
	_ =	sdelay $0x3  }
0x3f: {  	v0 =	vshll.u32 v0, $0xD  }
0x40: {  	v58 =	vld [tilespmem:$0x20];
	v59 =	vand.u32 $0xFFFFFF80, v1;
	v0 =	vadd.s32 s28, v0  }
0x41: {  	v1 =	vand.u32 $0x7F, v1;
	v3 =	vadd.s32 v59, v0  }
0x42: {  	v1 =	vor.u32 v1, v3;
	_ =	sdelay $0x2  }
0x43: {  	v60 =	vand.u32 $0xFFFFFF80, v58  }
0x44: {  	v2 =	vand.u32 $0x7F, v58;
	v0 =	vadd.s32 v0, v60  }
0x45: {  	v0 =	vor.u32 v2, v0;
	v1 =	vld.idx.msk [tilespmem:v1+s15+$0x0], $0xffff;
	_ =	sdelay $0x4  }
0x46: {  	[tilespmem:v0+s15+$0x0] =	vst.idx.msk $0xffff, v1  }
0x47: {  	v0 =	vld [tilespmem:$0x130]  }
0x48: {  	v1 =	vld [tilespmem:$0xB0];
	_ =	sdelay $0x3  }
0x49: {  	v0 =	vshll.u32 v0, $0xD  }
0x4a: {  	v61 =	vld [tilespmem:$0x30];
	v62 =	vand.u32 $0xFFFFFF80, v1;
	v0 =	vadd.s32 s28, v0  }
0x4b: {  	v1 =	vand.u32 $0x7F, v1;
	v3 =	vadd.s32 v62, v0  }
0x4c: {  	v1 =	vor.u32 v1, v3  }
0x4d: {  	s31 =	sadd.s32 $0x6, s25;
	p0 =	sgt.u32 s25, $0x19  }
0x4e: {  	s0 =	smul.u32 @!p0 $0xAB, s31  }
0x4f: {  	v63 =	vand.u32 $0xFFFFFF80, v61  }
0x50: {  	s0 =	sshrl.u32 @!p0 s0, $0xB;
	v2 =	vand.u32 $0x7F, v61;
	v0 =	vadd.s32 v0, v63  }
0x51: {  	s29 =	sadd.s32 $0xFFFF4000, s23;
	s30 =	sadd.s32 $0xFFFFFD00, s24;
	s0 =	sand.u32 @!p0 $0x1F, s0;
	v0 =	vor.u32 v2, v0;
	v1 =	vld.idx.msk [tilespmem:v1+s15+$0x0], $0xffff  }
0x52: {  	s29 =	sand.u32 $0x30000, s29;
	s30 =	sand.u32 $0x380, s30;
	s0 =	smul.u32 @!p0 $0xC, s0  }
0x53: {  	p1 =	slt.u32 @!p0 s25, $0x6;
	s29 =	sor.u32 s29, s30  }
0x54: {  	p1 =	por p1, p0;
	s29 =	sor.u32 s6, s29;
	s0 =	ssub.s32 @!p0 s31, s0  }
0x55: {  	s29 =	sshrl.u32 s29, $0x3;
	s0 =	sand.u32 @!p0 $0xFF, s0;
	s30 =	rddreg [dreg:$0x4]  }
0x56: {  	s29 =	sadd.s32 s30, s29;
	s26 =	sadd.s32 $0xD, s26;
	s28 =	sor.u32 $0x200, s28;
	[tilespmem:v0+s15+$0x0] =	vst.idx.msk $0xffff, v1  }
0x57: {  	[hbm4b:s29+s13] =	stream.strided.scatter [tilespmem:s28], [sflag:s26], $0x2000, s14, s13, $0x38;
	[tilespmem:$0x18200] =	vst v63  }
0x58: {  	s26 =	sadd.s32 @!p1 $0xD, s0  }
0x59: {  	s25 =	sadd.s32 $0x1, s25;
	s28 =	sand.u32 @!p0 $0x70000, s23;
	_ =	swait.ge @!p1 [sflag:s26], $0x2000  }
0x5a: {  	s29 =	sand.u32 @!p0 $0x380, s24;
	s28 =	sadd.s32 @!p0 s6, s28;
	[sflag:s26] =	ssyncset.done @!p1 $0x0  }
0x5b: {  	s30 =	simm.s32 @!p0 $0x400;
	[sflag:s26] =	ssyncadd.s32 @!p1 $0xFFFFE000;
	s26 =	sor.u32 @!p0 s29, s28  }
0x5c: {  	s28 =	sshll.u32 @!p0 s0, $0xD;
	s0 =	sadd.s32 @!p0 $0x1, s0;
	s26 =	sshrl.u32 @!p0 s26, $0x3  }
0x5d: {  	s29 =	simm.s32 @!p0 $0x80;
	s28 =	sor.u32 @!p0 $0x200, s28;
	s26 =	sadd.s32 @!p0 s1, s26  }
0x5e: {  	[tilespmem:s28], [sflag:s0] =	stream.strided.gather @!p0 [hbm4b:s26+s29], $0x2000, s30, s29, $0x38;
	[tilespmem:$0x18200] =	vst v63  }
0x5f: {  	p0 =	sne.s32 s25, $0x20  }
.Ltmp0:
0x60: {  	_ = 	snop;
	(pc) =	sbr.rel @p0 .LBB2_2-.Ltmp0, $2  }
0x61: {  	_ =	sdelay $0x2  }
0x62: {  	s23 =	sadd.s32 $0x2000, s23;
	s24 =	sadd.s32 $0x80, s24  }
0x63: {  	s23 =	simm.s32 $0x14  }
0x64: {  	s0 =	smul.u32 $0xAB, s23;
	_ =	sdelay $0x1  }
0x65: {  	s0 =	sshrl.u32 s0, $0xB  }
0x66: {  	s0 =	sand.u32 $0x1F, s0  }
0x67: {  	s24 =	simm.s32 $0x15;
	s25 =	smul.u32 $0xC, s0  }
.LBB2_4:
0x68: {  	s0 =	smul.u32 $0xAB, s24  }
0x69: {  	s25 =	ssub.s32 s23, s25;
	s23 =	smov.u32 s24;
	p0 =	sne.s32 s24, $0x1F  }
.Ltmp1:
0x6a: {  	s24 =	sadd.s32 $0x1, s24;
	s25 =	sand.u32 $0xFF, s25;
	(pc) =	sbr.rel @p0 .LBB2_4-.Ltmp1, $4  }
0x6b: {  	s0 =	sshrl.u32 s0, $0xB;
	s26 =	sadd.s32 $0xD, s25  }
0x6c: {  	s0 =	sand.u32 $0x1F, s0;
	_ =	swait.ge [sflag:s26], $0x2000  }
0x6d: {  	s25 =	smul.u32 $0xC, s0;
	[sflag:s26] =	ssyncset.done $0x0  }
0x6e: {  	[sflag:s26] =	ssyncadd.s32 $0xFFFFE000  }
0x6f: {  	s22 =	sadd.s32 $0x1, s22  }
0x70: {  	s0 =	ssub.s32 s23, s25;
	p0 =	sne.s32 s22, s7  }
.Ltmp2:
0x71: {  	s0 =	sand.u32 $0xFF, s0;
	(pc) =	sbr.rel @p0 .LBB2_1-.Ltmp2, $4  }
0x72: {  	s0 =	sadd.s32 $0xD, s0  }
0x73: {  	_ =	swait.ge [sflag:s0], $0x2000  }
0x74: {  	[sflag:s0] =	ssyncset.done $0x0  }
0x75: {  	[sflag:s0] =	ssyncadd.s32 $0xFFFFE000  }
0x76: {  	_ =	sfence.sel $0x180000  }
0x77: {  	[bflag:$0x0] =	sbarrier.arrive $0xFFFF  }
0x78: {  	_ =	strace $0x90000047  }
0x79: {  	[bflag:$0x2] =	sbarrier.arrive $0xFFFF  }
0x7a: {  	p0 =	sne.s32 s2, $0x0;
	s0 =	rddreg [dreg:$0x3]  }
0x7b: {  	s0 =	sadd.s32 @!p0 $0x100000, s0  }
0x7c: {  	[sflag:s0] =	ssyncadd.tile.s32 @!p0 $0x1;
	_ =	shalt  }
.Lfunc_end2:
_tile_overlayer_lowered:
.L_overlay_start_2:
0x7d: {  	(tag) =	ssettag $0x2  }
0x7e: {  	s0 =	rddreg [dreg:$0x0];
	s2 =	stileid.u32  }
0x7f: {  	s1 =	rddreg [dreg:$0x1];
	p0 =	sne.s32 s2, $0x0  }
0x80: {  	s3 =	rddreg [dreg:$0x2];
	[bflag:$0x3] =	sbarrier.arrive $0xFFFF;
	s2 =	simm.s32 @!p0 $0x1C19  }
0x81: {  	[timem:s3], [sflag:s2] =	dma.local @!p0 [hbm:s0], s1  }
0x82: {  	s0 =	simm.s32 @!p0 $0x19  }
0x83: {  	_ =	swait.ge @!p0 [sflag:s0], s1  }
0x84: {  	s1 =	ssub.s32 @!p0 $0x0, s1;
	[sflag:s0] =	ssyncset.done @!p0 $0x0  }
0x85: {  	[sflag:s0] =	ssyncadd.s32 @!p0 s1  }
0x86: {  	[bflag:$0x3] =	sbarrier.arrive $0xFFFF  }
0x87: {  	_ =	shalt  }

</sc_bundles>
